<compile_context>
chip_gen: v7x
topology: tpu7x:2x2x1
jax: 0.10.2.dev20260603
libtpu: 0.0.44.dev20260713+nightly
codegen_flags: <defaults>
</compile_context>

<pallas_src>
import functools

import jax
import jax.numpy as jnp
from jax import lax
from jax.experimental import pallas as pl
from jax.experimental.pallas import tpu as pltpu
from jax.experimental.pallas import tpu_sc as plsc

_B = 8192
_D = 1024
_P = 64
_K = 8
_BLK = 512
_EPS = 1e-12

_ROWS = _B * _K
_NW = 32
_RPW = _ROWS // _NW
_CH = 32
_NCH = _RPW // _CH


def _tc_body(x_ref, k_ref, n2x_ref, n2k_ref, loss_ref, idx_ref):
    i = pl.program_id(0)
    nprog = pl.num_programs(0)

    x = x_ref[...]
    xn = x / jnp.maximum(jnp.sqrt(n2x_ref[...]), _EPS)
    k = k_ref[...]
    kn = k / jnp.maximum(jnp.sqrt(n2k_ref[...]), _EPS)

    s = lax.dot_general(xn, kn, (((1,), (1,)), ((), ())),
                        preferred_element_type=jnp.float32)
    m = jnp.max(s, axis=1, keepdims=True)
    e = jnp.exp(s - m)
    p = e / jnp.sum(e, axis=1, keepdims=True)

    cols = lax.broadcasted_iota(jnp.int32, (_BLK, _P), 1)
    work = p
    val_sum = jnp.zeros((), jnp.float32)
    for j in range(_K):
        mx = jnp.max(work, axis=1, keepdims=True)
        amx = jnp.min(jnp.where(work == mx, cols, _P), axis=1, keepdims=True)
        idx_ref[:, j] = amx[:, 0]
        val_sum = val_sum + jnp.sum(mx)
        work = jnp.where(cols == amx, -1.0, work)

    @pl.when(i == 0)
    def _():
        loss_ref[0, 0] = 0.0

    loss_ref[0, 0] += val_sum

    @pl.when(i == nprog - 1)
    def _():
        loss_ref[0, 0] = loss_ref[0, 0] * (-1.0 / _B)


@functools.partial(
    pl.kernel,
    out_type=jax.ShapeDtypeStruct((_ROWS, _D), jnp.float32),
    mesh=plsc.VectorSubcoreMesh(core_axis_name="c", subcore_axis_name="s"),
    scratch_types=[
        pltpu.VMEM((_RPW,), jnp.int32),
        pltpu.VMEM((_CH, _D), jnp.float32),
        pltpu.VMEM((_CH, _D), jnp.float32),
        pltpu.SemaphoreType.DMA,
        pltpu.SemaphoreType.DMA,
    ],
)
def _sc_gather(table_hbm, idx_hbm, out_hbm, idx_v, bufa, bufb, sema, semb):
    wid = lax.axis_index("s") * 2 + lax.axis_index("c")
    base = wid * _RPW
    pltpu.sync_copy(idx_hbm.at[pl.ds(base, _RPW)], idx_v)

    def step(g, carry):
        offa = g * 2 * _CH
        offb = offa + _CH
        ha = pltpu.async_copy(
            table_hbm.at[idx_v.at[pl.ds(offa, _CH)]], bufa, sema)
        hb = pltpu.async_copy(
            table_hbm.at[idx_v.at[pl.ds(offb, _CH)]], bufb, semb)
        ha.wait()
        pltpu.sync_copy(bufa, out_hbm.at[pl.ds(base + offa, _CH)])
        hb.wait()
        pltpu.sync_copy(bufb, out_hbm.at[pl.ds(base + offb, _CH)])
        return carry

    lax.fori_loop(0, _NCH // 2, step, 0)


@jax.jit
def _run(input_data, prompt_keys, prompt_values):
    grid = _B // _BLK
    n2x = jnp.sum(jnp.abs(input_data) ** 2, axis=-1, keepdims=True)
    n2k = jnp.sum(jnp.abs(prompt_keys) ** 2, axis=-1, keepdims=True)
    loss, idxs = pl.pallas_call(
        _tc_body,
        grid=(grid,),
        in_specs=[
            pl.BlockSpec((_BLK, _D), lambda i: (i, 0)),
            pl.BlockSpec((_P, _D), lambda i: (0, 0)),
            pl.BlockSpec((_BLK, 1), lambda i: (i, 0)),
            pl.BlockSpec((_P, 1), lambda i: (0, 0)),
        ],
        out_specs=[
            pl.BlockSpec((1, 1), lambda i: (0, 0), memory_space=pltpu.SMEM),
            pl.BlockSpec((_BLK, _K), lambda i: (i, 0)),
        ],
        out_shape=[
            jax.ShapeDtypeStruct((1, 1), jnp.float32),
            jax.ShapeDtypeStruct((_B, _K), jnp.int32),
        ],
        compiler_params=pltpu.CompilerParams(
            dimension_semantics=("arbitrary",),
        ),
    )(input_data, prompt_keys, n2x, n2k)
    idx_flat = idxs.reshape(_ROWS)
    sel = _sc_gather(prompt_values, idx_flat)
    return sel.reshape(_B, _K, _D), loss[0, 0], idxs


def kernel(input_data, prompt_keys, prompt_values, top_k):
    del top_k
    return _run(input_data, prompt_keys, prompt_values)

# --- scband reference (transcript-rebuilt; emitter-appended) ---
"""Pipeline reference for scband-prompt-pool-32487132627376 (READ-ONLY COPY).

The authoritative reference and input builder live on the scoring server;
editing this copy changes nothing except your own understanding.
"""

import jax, jax.numpy as jnp
import numpy as np

B = 8192
D = 1024
P = 64

def setup_inputs(seed: int = 0) -> dict:
    key = jax.random.key(seed)
    k1, k2, k3 = jax.random.split(key, 3)
    input_data = jax.random.normal(k1, (B, D), dtype=jnp.float32)
    prompt_keys = jax.random.normal(k2, (P, D), dtype=jnp.float32) * 0.01
    prompt_values = jax.random.normal(k3, (P, D), dtype=jnp.float32)
    return {
        "input_data": input_data,
        "prompt_keys": prompt_keys,
        "prompt_values": prompt_values,
        "top_k": 8,
    }

def _normalize(x, eps=1e-12):
    n = jnp.linalg.norm(x, axis=-1, keepdims=True)
    return x / jnp.maximum(n, eps)

def reference(input_data, prompt_keys, prompt_values, top_k):
    # sim_strategy of PromptPool (dropout p=0.0 -> identity)
    norm_input = _normalize(input_data)
    norm_keys = _normalize(prompt_keys)
    similarities = jnp.matmul(norm_input, norm_keys.T)  # [B, P]
    normalized_similarities = jax.nn.softmax(similarities, axis=1)
    topk_values, topk_indices = jax.lax.top_k(normalized_similarities, 8)  # [B, k]
    topk_indices = topk_indices + (top_k - top_k)
    selected_prompts = jnp.take(prompt_values, topk_indices, axis=0)  # [B, k, D]
    diversity_loss = -jnp.mean(jnp.sum(topk_values, axis=1))
    return (selected_prompts, diversity_loss, topk_indices)

if __name__ == "__main__":
    import jax
    _d = setup_inputs()
    print(jax.jit(kernel)(*tuple(_d.values())))

</pallas_src>

<mosaic_0001>
#map = affine_map<(d0, d1) -> (0, 0)>
#map1 = affine_map<(d0, d1) -> (0)>
module attributes {stable_mosaic.version = 14 : i64} {
  func.func @_sc_gather(%arg0: i32, %arg1: i32, %arg2: memref<64x1024xf32, #tpu.memory_space<hbm>>, %arg3: memref<65536xi32, #tpu.memory_space<hbm>>, %arg4: memref<65536x1024xf32, #tpu.memory_space<hbm>>, %arg5: memref<2048xi32, #tpu.memory_space<vmem>>, %arg6: memref<32x1024xf32, #tpu.memory_space<vmem>>, %arg7: memref<32x1024xf32, #tpu.memory_space<vmem>>, %arg8: memref<!tpu.dma_semaphore, #tpu.memory_space<semaphore_mem>>, %arg9: memref<!tpu.dma_semaphore, #tpu.memory_space<semaphore_mem>>) attributes {dimension_semantics = [#tpu.dimension_semantics<core_parallel>, #tpu.dimension_semantics<subcore_parallel>], iteration_bounds = array<i64: 2, 16>, scalar_prefetch = 0 : i64, scratch_operands = 5 : i64, tpu.core_type = #tpu.core_type<sc_vector_subcore>, window_params = [{transform_indices = #map}, {transform_indices = #map1}, {transform_indices = #map}]} {
    %mul3A = arith.constant 2 : i32
    %mul3A_0 = arith.muli %arg1, %mul3A : i32
    %add3A = arith.addi %mul3A_0, %arg0 : i32
    %mul3A_1 = arith.constant 2048 : i32
    %mul3A_2 = arith.muli %add3A, %mul3A_1 : i32
    "tpu.region"() ({
      %run_scoped3A = tpu.sem_alloc : memref<!tpu.dma_semaphore, #tpu.memory_space<semaphore_mem>>
      %dma_start3A = tpu.memref_slice %arg3[%mul3A_2] : memref<65536xi32, #tpu.memory_space<hbm>> -> memref<2048xi32, #tpu.memory_space<hbm>>
      %dma_start3A_8 = tpu.memref_slice %arg3[%mul3A_2] : memref<65536xi32, #tpu.memory_space<hbm>> -> memref<2048xi32, #tpu.memory_space<hbm>>
      tpu.enqueue_dma source(%dma_start3A_8 : memref<2048xi32, #tpu.memory_space<hbm>>) target(%arg5 : memref<2048xi32, #tpu.memory_space<vmem>>) target_semaphore(%run_scoped3A : memref<!tpu.dma_semaphore, #tpu.memory_space<semaphore_mem>>)
      %dma_wait3A = tpu.memref_slice %arg3[%mul3A_2] : memref<65536xi32, #tpu.memory_space<hbm>> -> memref<2048xi32, #tpu.memory_space<hbm>>
      %dma_wait3A_9 = tpu.memref_slice %arg3[%mul3A_2] : memref<65536xi32, #tpu.memory_space<hbm>> -> memref<2048xi32, #tpu.memory_space<hbm>>
      tpu.wait_dma2 semaphore(%run_scoped3A : memref<!tpu.dma_semaphore, #tpu.memory_space<semaphore_mem>>) src(%dma_wait3A_9 : memref<2048xi32, #tpu.memory_space<hbm>>) dst(%arg5 : memref<2048xi32, #tpu.memory_space<vmem>>)
      tpu.yield
    }) : () -> ()
    %scan3A = arith.constant 0 : i32
    %scan3A_3 = arith.constant 0 : i32
    %scan3A_4 = arith.constant 32 : i32
    %scan3A_5 = arith.addi %scan3A_3, %scan3A_4 : i32
    %scan3A_6 = arith.constant 1 : i32
    scf.for %scan3A_8 = %scan3A_3 to %scan3A_5 step %scan3A_6  : i32 {
      %mul3A_9 = arith.constant 2 : i32
      %mul3A_10 = arith.muli %scan3A_8, %mul3A_9 : i32
      %mul3A_11 = arith.constant 32 : i32
      %mul3A_12 = arith.muli %mul3A_10, %mul3A_11 : i32
      %add3A_13 = arith.constant 32 : i32
      %add3A_14 = arith.addi %mul3A_12, %add3A_13 : i32
      %dma_start3A = tpu.memref_slice %arg5[%mul3A_12] : memref<2048xi32, #tpu.memory_space<vmem>> -> memref<32xi32, #tpu.memory_space<vmem>>
      %dma_start3A_15 = arith.constant 0 : i32
      %dma_start3A_16 = arith.constant 0 : i32
      %dma_start3A_17 = tpu.memref_slice %arg2[%dma_start3A_15, %dma_start3A_16] : memref<64x1024xf32, #tpu.memory_space<hbm>> -> memref<64x1024xf32, #tpu.memory_space<hbm>>
      tpu.enqueue_indirect_dma source(%dma_start3A_17 : memref<64x1024xf32, #tpu.memory_space<hbm>>) target(%arg6 : memref<32x1024xf32, #tpu.memory_space<vmem>>) offsets(%dma_start3A : memref<32xi32, #tpu.memory_space<vmem>>) semaphore(%arg8 : memref<!tpu.dma_semaphore, #tpu.memory_space<semaphore_mem>>)
      %dma_start3A_18 = tpu.memref_slice %arg5[%add3A_14] : memref<2048xi32, #tpu.memory_space<vmem>> -> memref<32xi32, #tpu.memory_space<vmem>>
      %dma_start3A_19 = arith.constant 0 : i32
      %dma_start3A_20 = arith.constant 0 : i32
      %dma_start3A_21 = tpu.memref_slice %arg2[%dma_start3A_19, %dma_start3A_20] : memref<64x1024xf32, #tpu.memory_space<hbm>> -> memref<64x1024xf32, #tpu.memory_space<hbm>>
      tpu.enqueue_indirect_dma source(%dma_start3A_21 : memref<64x1024xf32, #tpu.memory_space<hbm>>) target(%arg7 : memref<32x1024xf32, #tpu.memory_space<vmem>>) offsets(%dma_start3A_18 : memref<32xi32, #tpu.memory_space<vmem>>) semaphore(%arg9 : memref<!tpu.dma_semaphore, #tpu.memory_space<semaphore_mem>>)
      %dma_wait3A = tpu.memref_slice %arg5[%mul3A_12] : memref<2048xi32, #tpu.memory_space<vmem>> -> memref<32xi32, #tpu.memory_space<vmem>>
      %dma_wait3A_22 = arith.constant 0 : i32
      %dma_wait3A_23 = arith.constant 0 : i32
      %dma_wait3A_24 = tpu.memref_slice %arg2[%dma_wait3A_22, %dma_wait3A_23] : memref<64x1024xf32, #tpu.memory_space<hbm>> -> memref<64x1024xf32, #tpu.memory_space<hbm>>
      tpu.wait_indirect_dma semaphore(%arg8 : memref<!tpu.dma_semaphore, #tpu.memory_space<semaphore_mem>>) src(%dma_wait3A_24 : memref<64x1024xf32, #tpu.memory_space<hbm>>) dst(%arg6 : memref<32x1024xf32, #tpu.memory_space<vmem>>)
      %add3A_25 = arith.addi %mul3A_2, %mul3A_12 : i32
      "tpu.region"() ({
        %run_scoped3A = tpu.sem_alloc : memref<!tpu.dma_semaphore, #tpu.memory_space<semaphore_mem>>
        %dma_start3A_31 = arith.constant 0 : i32
        %dma_start3A_32 = tpu.memref_slice %arg4[%add3A_25, %dma_start3A_31] : memref<65536x1024xf32, #tpu.memory_space<hbm>> -> memref<32x1024xf32, #tpu.memory_space<hbm>>
        %dma_start3A_33 = arith.constant 0 : i32
        %dma_start3A_34 = tpu.memref_slice %arg4[%add3A_25, %dma_start3A_33] : memref<65536x1024xf32, #tpu.memory_space<hbm>> -> memref<32x1024xf32, #tpu.memory_space<hbm>>
        tpu.enqueue_dma source(%arg6 : memref<32x1024xf32, #tpu.memory_space<vmem>>) target(%dma_start3A_34 : memref<32x1024xf32, #tpu.memory_space<hbm>>) target_semaphore(%run_scoped3A : memref<!tpu.dma_semaphore, #tpu.memory_space<semaphore_mem>>)
        %dma_wait3A_35 = arith.constant 0 : i32
        %dma_wait3A_36 = tpu.memref_slice %arg4[%add3A_25, %dma_wait3A_35] : memref<65536x1024xf32, #tpu.memory_space<hbm>> -> memref<32x1024xf32, #tpu.memory_space<hbm>>
        %dma_wait3A_37 = arith.constant 0 : i32
        %dma_wait3A_38 = tpu.memref_slice %arg4[%add3A_25, %dma_wait3A_37] : memref<65536x1024xf32, #tpu.memory_space<hbm>> -> memref<32x1024xf32, #tpu.memory_space<hbm>>
        tpu.wait_dma2 semaphore(%run_scoped3A : memref<!tpu.dma_semaphore, #tpu.memory_space<semaphore_mem>>) src(%arg6 : memref<32x1024xf32, #tpu.memory_space<vmem>>) dst(%dma_wait3A_38 : memref<32x1024xf32, #tpu.memory_space<hbm>>)
        tpu.yield
      }) : () -> ()
      %dma_wait3A_26 = tpu.memref_slice %arg5[%add3A_14] : memref<2048xi32, #tpu.memory_space<vmem>> -> memref<32xi32, #tpu.memory_space<vmem>>
      %dma_wait3A_27 = arith.constant 0 : i32
      %dma_wait3A_28 = arith.constant 0 : i32
      %dma_wait3A_29 = tpu.memref_slice %arg2[%dma_wait3A_27, %dma_wait3A_28] : memref<64x1024xf32, #tpu.memory_space<hbm>> -> memref<64x1024xf32, #tpu.memory_space<hbm>>
      tpu.wait_indirect_dma semaphore(%arg9 : memref<!tpu.dma_semaphore, #tpu.memory_space<semaphore_mem>>) src(%dma_wait3A_29 : memref<64x1024xf32, #tpu.memory_space<hbm>>) dst(%arg7 : memref<32x1024xf32, #tpu.memory_space<vmem>>)
      %add3A_30 = arith.addi %mul3A_2, %add3A_14 : i32
      "tpu.region"() ({
        %run_scoped3A = tpu.sem_alloc : memref<!tpu.dma_semaphore, #tpu.memory_space<semaphore_mem>>
        %dma_start3A_31 = arith.constant 0 : i32
        %dma_start3A_32 = tpu.memref_slice %arg4[%add3A_30, %dma_start3A_31] : memref<65536x1024xf32, #tpu.memory_space<hbm>> -> memref<32x1024xf32, #tpu.memory_space<hbm>>
        %dma_start3A_33 = arith.constant 0 : i32
        %dma_start3A_34 = tpu.memref_slice %arg4[%add3A_30, %dma_start3A_33] : memref<65536x1024xf32, #tpu.memory_space<hbm>> -> memref<32x1024xf32, #tpu.memory_space<hbm>>
        tpu.enqueue_dma source(%arg7 : memref<32x1024xf32, #tpu.memory_space<vmem>>) target(%dma_start3A_34 : memref<32x1024xf32, #tpu.memory_space<hbm>>) target_semaphore(%run_scoped3A : memref<!tpu.dma_semaphore, #tpu.memory_space<semaphore_mem>>)
        %dma_wait3A_35 = arith.constant 0 : i32
        %dma_wait3A_36 = tpu.memref_slice %arg4[%add3A_30, %dma_wait3A_35] : memref<65536x1024xf32, #tpu.memory_space<hbm>> -> memref<32x1024xf32, #tpu.memory_space<hbm>>
        %dma_wait3A_37 = arith.constant 0 : i32
        %dma_wait3A_38 = tpu.memref_slice %arg4[%add3A_30, %dma_wait3A_37] : memref<65536x1024xf32, #tpu.memory_space<hbm>> -> memref<32x1024xf32, #tpu.memory_space<hbm>>
        tpu.wait_dma2 semaphore(%run_scoped3A : memref<!tpu.dma_semaphore, #tpu.memory_space<semaphore_mem>>) src(%arg7 : memref<32x1024xf32, #tpu.memory_space<vmem>>) dst(%dma_wait3A_38 : memref<32x1024xf32, #tpu.memory_space<hbm>>)
        tpu.yield
      }) : () -> ()
    }
    %scan3A_7 = arith.constant 32 : i32
    return
  }
}

module attributes {stable_mosaic.version = 14 : i64} {
  func.func @_tc_body(%arg0: i32, %arg1: memref<512x1024xf32, #tpu.memory_space<vmem>>, %arg2: memref<64x1024xf32, #tpu.memory_space<vmem>>, %arg3: memref<512x1xf32, #tpu.memory_space<vmem>>, %arg4: memref<64x1xf32, #tpu.memory_space<vmem>>, %arg5: memref<1x1xf32, #tpu.memory_space<smem>>, %arg6: memref<512x8xi32, #tpu.memory_space<vmem>>) attributes {dimension_semantics = [#tpu.dimension_semantics<arbitrary>], iteration_bounds = array<i64: 16>, scalar_prefetch = 0 : i64, scratch_operands = 0 : i64, tpu.core_type = #tpu.core_type<tc>, window_params = [{transform_indices = @transform_0, window_bounds = array<i64: 512, 1024>}, {pipeline_mode = #tpu.pipeline_mode<synchronous>, transform_indices = @transform_1, window_bounds = array<i64: 64, 1024>}, {transform_indices = @transform_2, window_bounds = array<i64: 512, 1>}, {pipeline_mode = #tpu.pipeline_mode<synchronous>, transform_indices = @transform_3, window_bounds = array<i64: 64, 1>}, {transform_indices = @transform_4, window_bounds = array<i64: 1, 1>}, {transform_indices = @transform_5, window_bounds = array<i64: 512, 8>}]} {
    %get3A = arith.constant 0 : index
    %get3A_0 = arith.constant 0 : index
    %get3A_1 = vector.load %arg1[%get3A, %get3A_0] : memref<512x1024xf32, #tpu.memory_space<vmem>>, vector<512x1024xf32>
    %get3A_2 = arith.constant 0 : index
    %get3A_3 = arith.constant 0 : index
    %get3A_4 = vector.load %arg3[%get3A_2, %get3A_3] : memref<512x1xf32, #tpu.memory_space<vmem>>, vector<512x1xf32>
    %sqrt3A = math.sqrt %get3A_4 : vector<512x1xf32>
    %max3A = arith.constant 9.99999996E-13 : f32
    %max3A_5 = vector.broadcast %max3A : f32 to vector<512x1xf32>
    %max3A_6 = arith.maximumf %sqrt3A, %max3A_5 : vector<512x1xf32>
    %div3A = vector.broadcast %max3A_6 : vector<512x1xf32> to vector<512x1024xf32>
    %div3A_7 = arith.divf %get3A_1, %div3A : vector<512x1024xf32>
    %get3A_8 = arith.constant 0 : index
    %get3A_9 = arith.constant 0 : index
    %get3A_10 = vector.load %arg2[%get3A_8, %get3A_9] : memref<64x1024xf32, #tpu.memory_space<vmem>>, vector<64x1024xf32>
    %get3A_11 = arith.constant 0 : index
    %get3A_12 = arith.constant 0 : index
    %get3A_13 = vector.load %arg4[%get3A_11, %get3A_12] : memref<64x1xf32, #tpu.memory_space<vmem>>, vector<64x1xf32>
    %sqrt3A_14 = math.sqrt %get3A_13 : vector<64x1xf32>
    %max3A_15 = arith.constant 9.99999996E-13 : f32
    %max3A_16 = vector.broadcast %max3A_15 : f32 to vector<64x1xf32>
    %max3A_17 = arith.maximumf %sqrt3A_14, %max3A_16 : vector<64x1xf32>
    %div3A_18 = vector.broadcast %max3A_17 : vector<64x1xf32> to vector<64x1024xf32>
    %div3A_19 = arith.divf %get3A_10, %div3A_18 : vector<64x1024xf32>
    %dot_general3A = arith.constant dense<0.000000e+00> : vector<512x64xf32>
    %dot_general3A_20 = tpu.matmul %div3A_7, %div3A_19, %dot_general3A {dimension_numbers = #tpu.dot_dimension_numbers<[1], [1], [0], [0], [0, 0, 1, 0], [], []>, transpose_lhs_hint = false} : vector<512x1024xf32>, vector<64x1024xf32>, vector<512x64xf32> -> vector<512x64xf32>
    %reduce_max3A = arith.constant dense<0xFF800000> : vector<512xf32>
    %reduce_max3A_21 = vector.multi_reduction <maximumf>, %dot_general3A_20, %reduce_max3A [1] : vector<512x64xf32> to vector<512xf32>
    %broadcast_in_dim3A = vector.shape_cast %reduce_max3A_21 : vector<512xf32> to vector<512x1xf32>
    %sub3A = vector.broadcast %broadcast_in_dim3A : vector<512x1xf32> to vector<512x64xf32>
    %sub3A_22 = arith.subf %dot_general3A_20, %sub3A : vector<512x64xf32>
    %exp3A = math.exp %sub3A_22 : vector<512x64xf32>
    %reduce_sum3A = arith.constant dense<0.000000e+00> : vector<512xf32>
    %reduce_sum3A_23 = vector.multi_reduction <add>, %exp3A, %reduce_sum3A [1] : vector<512x64xf32> to vector<512xf32>
    %broadcast_in_dim3A_24 = vector.shape_cast %reduce_sum3A_23 : vector<512xf32> to vector<512x1xf32>
    %div3A_25 = vector.broadcast %broadcast_in_dim3A_24 : vector<512x1xf32> to vector<512x64xf32>
    %div3A_26 = arith.divf %exp3A, %div3A_25 : vector<512x64xf32>
    %iota3A = tpu.iota {dimensions = array<i32: 1>} : vector<512x64xi32>
    %reduce_max3A_27 = arith.constant dense<0xFF800000> : vector<512xf32>
    %reduce_max3A_28 = vector.multi_reduction <maximumf>, %div3A_26, %reduce_max3A_27 [1] : vector<512x64xf32> to vector<512xf32>
    %broadcast_in_dim3A_29 = vector.shape_cast %reduce_max3A_28 : vector<512xf32> to vector<512x1xf32>
    %eq3A = vector.broadcast %broadcast_in_dim3A_29 : vector<512x1xf32> to vector<512x64xf32>
    %eq3A_30 = arith.cmpf oeq, %div3A_26, %eq3A : vector<512x64xf32>
    %jit3A = arith.constant 64 : i32
    %broadcast_in_dim3A_31 = vector.broadcast %jit3A : i32 to vector<512x64xi32>
    %select_n3A = arith.select %eq3A_30, %iota3A, %broadcast_in_dim3A_31 : vector<512x64xi1>, vector<512x64xi32>
    %reduce_min3A = arith.constant dense<2147483647> : vector<512xi32>
    %reduce_min3A_32 = vector.multi_reduction <minsi>, %select_n3A, %reduce_min3A [1] : vector<512x64xi32> to vector<512xi32>
    %broadcast_in_dim3A_33 = vector.shape_cast %reduce_min3A_32 : vector<512xi32> to vector<512x1xi32>
    %squeeze3A = vector.shape_cast %broadcast_in_dim3A_33 : vector<512x1xi32> to vector<512xi32>
    %swap3A = arith.constant 0 : index
    %swap3A_34 = arith.constant 0 : index
    %swap3A_35 = vector.load %arg6[%swap3A, %swap3A_34] : memref<512x8xi32, #tpu.memory_space<vmem>>, vector<512x1xi32>
    %swap3A_36 = vector.shape_cast %swap3A_35 : vector<512x1xi32> to vector<512xi32>
    %swap3A_37 = vector.shape_cast %squeeze3A : vector<512xi32> to vector<512x1xi32>
    tpu.vector_store %arg6[%swap3A, %swap3A_34], %swap3A_37 {strides = array<i32>} : memref<512x8xi32, #tpu.memory_space<vmem>>, vector<512x1xi32>,
    %reduce_sum3A_38 = vector.shape_cast %broadcast_in_dim3A_29 : vector<512x1xf32> to vector<1x512x1xf32>
    %reduce_sum3A_39 = arith.constant dense<0.000000e+00> : vector<1xf32>
    %reduce_sum3A_40 = vector.multi_reduction <add>, %reduce_sum3A_38, %reduce_sum3A_39 [1, 2] : vector<1x512x1xf32> to vector<1xf32>
    %reduce_sum3A_41 = vector.shape_cast %reduce_sum3A_40 : vector<1xf32> to vector<1x1x1xf32>
    %reduce_sum3A_42 = vector.extract %reduce_sum3A_41[0, 0, 0] : f32 from vector<1x1x1xf32>
    %add3A = arith.constant 0.000000e+00 : f32
    %add3A_43 = arith.addf %add3A, %reduce_sum3A_42 : f32
    %eq3A_44 = vector.broadcast %broadcast_in_dim3A_33 : vector<512x1xi32> to vector<512x64xi32>
    %eq3A_45 = arith.cmpi eq, %iota3A, %eq3A_44 : vector<512x64xi32>
    %jit3A_46 = arith.constant -1.000000e+00 : f32
    %broadcast_in_dim3A_47 = vector.broadcast %jit3A_46 : f32 to vector<512x64xf32>
    %select_n3A_48 = arith.select %eq3A_45, %broadcast_in_dim3A_47, %div3A_26 : vector<512x64xi1>, vector<512x64xf32>
    %reduce_max3A_49 = arith.constant dense<0xFF800000> : vector<512xf32>
    %reduce_max3A_50 = vector.multi_reduction <maximumf>, %select_n3A_48, %reduce_max3A_49 [1] : vector<512x64xf32> to vector<512xf32>
    %broadcast_in_dim3A_51 = vector.shape_cast %reduce_max3A_50 : vector<512xf32> to vector<512x1xf32>
    %eq3A_52 = vector.broadcast %broadcast_in_dim3A_51 : vector<512x1xf32> to vector<512x64xf32>
    %eq3A_53 = arith.cmpf oeq, %select_n3A_48, %eq3A_52 : vector<512x64xf32>
    %jit3A_54 = arith.constant 64 : i32
    %broadcast_in_dim3A_55 = vector.broadcast %jit3A_54 : i32 to vector<512x64xi32>
    %select_n3A_56 = arith.select %eq3A_53, %iota3A, %broadcast_in_dim3A_55 : vector<512x64xi1>, vector<512x64xi32>
    %reduce_min3A_57 = arith.constant dense<2147483647> : vector<512xi32>
    %reduce_min3A_58 = vector.multi_reduction <minsi>, %select_n3A_56, %reduce_min3A_57 [1] : vector<512x64xi32> to vector<512xi32>
    %broadcast_in_dim3A_59 = vector.shape_cast %reduce_min3A_58 : vector<512xi32> to vector<512x1xi32>
    %squeeze3A_60 = vector.shape_cast %broadcast_in_dim3A_59 : vector<512x1xi32> to vector<512xi32>
    %swap3A_61 = arith.constant 0 : index
    %swap3A_62 = arith.constant 1 : index
    %swap3A_63 = vector.load %arg6[%swap3A_61, %swap3A_62] : memref<512x8xi32, #tpu.memory_space<vmem>>, vector<512x1xi32>
    %swap3A_64 = vector.shape_cast %swap3A_63 : vector<512x1xi32> to vector<512xi32>
    %swap3A_65 = vector.shape_cast %squeeze3A_60 : vector<512xi32> to vector<512x1xi32>
    tpu.vector_store %arg6[%swap3A_61, %swap3A_62], %swap3A_65 {strides = array<i32>} : memref<512x8xi32, #tpu.memory_space<vmem>>, vector<512x1xi32>,
    %reduce_sum3A_66 = vector.shape_cast %broadcast_in_dim3A_51 : vector<512x1xf32> to vector<1x512x1xf32>
    %reduce_sum3A_67 = arith.constant dense<0.000000e+00> : vector<1xf32>
    %reduce_sum3A_68 = vector.multi_reduction <add>, %reduce_sum3A_66, %reduce_sum3A_67 [1, 2] : vector<1x512x1xf32> to vector<1xf32>
    %reduce_sum3A_69 = vector.shape_cast %reduce_sum3A_68 : vector<1xf32> to vector<1x1x1xf32>
    %reduce_sum3A_70 = vector.extract %reduce_sum3A_69[0, 0, 0] : f32 from vector<1x1x1xf32>
    %add3A_71 = arith.addf %add3A_43, %reduce_sum3A_70 : f32
    %eq3A_72 = vector.broadcast %broadcast_in_dim3A_59 : vector<512x1xi32> to vector<512x64xi32>
    %eq3A_73 = arith.cmpi eq, %iota3A, %eq3A_72 : vector<512x64xi32>
    %jit3A_74 = arith.constant -1.000000e+00 : f32
    %broadcast_in_dim3A_75 = vector.broadcast %jit3A_74 : f32 to vector<512x64xf32>
    %select_n3A_76 = arith.select %eq3A_73, %broadcast_in_dim3A_75, %select_n3A_48 : vector<512x64xi1>, vector<512x64xf32>
    %reduce_max3A_77 = arith.constant dense<0xFF800000> : vector<512xf32>
    %reduce_max3A_78 = vector.multi_reduction <maximumf>, %select_n3A_76, %reduce_max3A_77 [1] : vector<512x64xf32> to vector<512xf32>
    %broadcast_in_dim3A_79 = vector.shape_cast %reduce_max3A_78 : vector<512xf32> to vector<512x1xf32>
    %eq3A_80 = vector.broadcast %broadcast_in_dim3A_79 : vector<512x1xf32> to vector<512x64xf32>
    %eq3A_81 = arith.cmpf oeq, %select_n3A_76, %eq3A_80 : vector<512x64xf32>
    %jit3A_82 = arith.constant 64 : i32
    %broadcast_in_dim3A_83 = vector.broadcast %jit3A_82 : i32 to vector<512x64xi32>
    %select_n3A_84 = arith.select %eq3A_81, %iota3A, %broadcast_in_dim3A_83 : vector<512x64xi1>, vector<512x64xi32>
    %reduce_min3A_85 = arith.constant dense<2147483647> : vector<512xi32>
    %reduce_min3A_86 = vector.multi_reduction <minsi>, %select_n3A_84, %reduce_min3A_85 [1] : vector<512x64xi32> to vector<512xi32>
    %broadcast_in_dim3A_87 = vector.shape_cast %reduce_min3A_86 : vector<512xi32> to vector<512x1xi32>
    %squeeze3A_88 = vector.shape_cast %broadcast_in_dim3A_87 : vector<512x1xi32> to vector<512xi32>
    %swap3A_89 = arith.constant 0 : index
    %swap3A_90 = arith.constant 2 : index
    %swap3A_91 = vector.load %arg6[%swap3A_89, %swap3A_90] : memref<512x8xi32, #tpu.memory_space<vmem>>, vector<512x1xi32>
    %swap3A_92 = vector.shape_cast %swap3A_91 : vector<512x1xi32> to vector<512xi32>
    %swap3A_93 = vector.shape_cast %squeeze3A_88 : vector<512xi32> to vector<512x1xi32>
    tpu.vector_store %arg6[%swap3A_89, %swap3A_90], %swap3A_93 {strides = array<i32>} : memref<512x8xi32, #tpu.memory_space<vmem>>, vector<512x1xi32>,
    %reduce_sum3A_94 = vector.shape_cast %broadcast_in_dim3A_79 : vector<512x1xf32> to vector<1x512x1xf32>
    %reduce_sum3A_95 = arith.constant dense<0.000000e+00> : vector<1xf32>
    %reduce_sum3A_96 = vector.multi_reduction <add>, %reduce_sum3A_94, %reduce_sum3A_95 [1, 2] : vector<1x512x1xf32> to vector<1xf32>
    %reduce_sum3A_97 = vector.shape_cast %reduce_sum3A_96 : vector<1xf32> to vector<1x1x1xf32>
    %reduce_sum3A_98 = vector.extract %reduce_sum3A_97[0, 0, 0] : f32 from vector<1x1x1xf32>
    %add3A_99 = arith.addf %add3A_71, %reduce_sum3A_98 : f32
    %eq3A_100 = vector.broadcast %broadcast_in_dim3A_87 : vector<512x1xi32> to vector<512x64xi32>
    %eq3A_101 = arith.cmpi eq, %iota3A, %eq3A_100 : vector<512x64xi32>
    %jit3A_102 = arith.constant -1.000000e+00 : f32
    %broadcast_in_dim3A_103 = vector.broadcast %jit3A_102 : f32 to vector<512x64xf32>
    %select_n3A_104 = arith.select %eq3A_101, %broadcast_in_dim3A_103, %select_n3A_76 : vector<512x64xi1>, vector<512x64xf32>
    %reduce_max3A_105 = arith.constant dense<0xFF800000> : vector<512xf32>
    %reduce_max3A_106 = vector.multi_reduction <maximumf>, %select_n3A_104, %reduce_max3A_105 [1] : vector<512x64xf32> to vector<512xf32>
    %broadcast_in_dim3A_107 = vector.shape_cast %reduce_max3A_106 : vector<512xf32> to vector<512x1xf32>
    %eq3A_108 = vector.broadcast %broadcast_in_dim3A_107 : vector<512x1xf32> to vector<512x64xf32>
    %eq3A_109 = arith.cmpf oeq, %select_n3A_104, %eq3A_108 : vector<512x64xf32>
    %jit3A_110 = arith.constant 64 : i32
    %broadcast_in_dim3A_111 = vector.broadcast %jit3A_110 : i32 to vector<512x64xi32>
    %select_n3A_112 = arith.select %eq3A_109, %iota3A, %broadcast_in_dim3A_111 : vector<512x64xi1>, vector<512x64xi32>
    %reduce_min3A_113 = arith.constant dense<2147483647> : vector<512xi32>
    %reduce_min3A_114 = vector.multi_reduction <minsi>, %select_n3A_112, %reduce_min3A_113 [1] : vector<512x64xi32> to vector<512xi32>
    %broadcast_in_dim3A_115 = vector.shape_cast %reduce_min3A_114 : vector<512xi32> to vector<512x1xi32>
    %squeeze3A_116 = vector.shape_cast %broadcast_in_dim3A_115 : vector<512x1xi32> to vector<512xi32>
    %swap3A_117 = arith.constant 0 : index
    %swap3A_118 = arith.constant 3 : index
    %swap3A_119 = vector.load %arg6[%swap3A_117, %swap3A_118] : memref<512x8xi32, #tpu.memory_space<vmem>>, vector<512x1xi32>
    %swap3A_120 = vector.shape_cast %swap3A_119 : vector<512x1xi32> to vector<512xi32>
    %swap3A_121 = vector.shape_cast %squeeze3A_116 : vector<512xi32> to vector<512x1xi32>
    tpu.vector_store %arg6[%swap3A_117, %swap3A_118], %swap3A_121 {strides = array<i32>} : memref<512x8xi32, #tpu.memory_space<vmem>>, vector<512x1xi32>,
    %reduce_sum3A_122 = vector.shape_cast %broadcast_in_dim3A_107 : vector<512x1xf32> to vector<1x512x1xf32>
    %reduce_sum3A_123 = arith.constant dense<0.000000e+00> : vector<1xf32>
    %reduce_sum3A_124 = vector.multi_reduction <add>, %reduce_sum3A_122, %reduce_sum3A_123 [1, 2] : vector<1x512x1xf32> to vector<1xf32>
    %reduce_sum3A_125 = vector.shape_cast %reduce_sum3A_124 : vector<1xf32> to vector<1x1x1xf32>
    %reduce_sum3A_126 = vector.extract %reduce_sum3A_125[0, 0, 0] : f32 from vector<1x1x1xf32>
    %add3A_127 = arith.addf %add3A_99, %reduce_sum3A_126 : f32
    %eq3A_128 = vector.broadcast %broadcast_in_dim3A_115 : vector<512x1xi32> to vector<512x64xi32>
    %eq3A_129 = arith.cmpi eq, %iota3A, %eq3A_128 : vector<512x64xi32>
    %jit3A_130 = arith.constant -1.000000e+00 : f32
    %broadcast_in_dim3A_131 = vector.broadcast %jit3A_130 : f32 to vector<512x64xf32>
    %select_n3A_132 = arith.select %eq3A_129, %broadcast_in_dim3A_131, %select_n3A_104 : vector<512x64xi1>, vector<512x64xf32>
    %reduce_max3A_133 = arith.constant dense<0xFF800000> : vector<512xf32>
    %reduce_max3A_134 = vector.multi_reduction <maximumf>, %select_n3A_132, %reduce_max3A_133 [1] : vector<512x64xf32> to vector<512xf32>
    %broadcast_in_dim3A_135 = vector.shape_cast %reduce_max3A_134 : vector<512xf32> to vector<512x1xf32>
    %eq3A_136 = vector.broadcast %broadcast_in_dim3A_135 : vector<512x1xf32> to vector<512x64xf32>
    %eq3A_137 = arith.cmpf oeq, %select_n3A_132, %eq3A_136 : vector<512x64xf32>
    %jit3A_138 = arith.constant 64 : i32
    %broadcast_in_dim3A_139 = vector.broadcast %jit3A_138 : i32 to vector<512x64xi32>
    %select_n3A_140 = arith.select %eq3A_137, %iota3A, %broadcast_in_dim3A_139 : vector<512x64xi1>, vector<512x64xi32>
    %reduce_min3A_141 = arith.constant dense<2147483647> : vector<512xi32>
    %reduce_min3A_142 = vector.multi_reduction <minsi>, %select_n3A_140, %reduce_min3A_141 [1] : vector<512x64xi32> to vector<512xi32>
    %broadcast_in_dim3A_143 = vector.shape_cast %reduce_min3A_142 : vector<512xi32> to vector<512x1xi32>
    %squeeze3A_144 = vector.shape_cast %broadcast_in_dim3A_143 : vector<512x1xi32> to vector<512xi32>
    %swap3A_145 = arith.constant 0 : index
    %swap3A_146 = arith.constant 4 : index
    %swap3A_147 = vector.load %arg6[%swap3A_145, %swap3A_146] : memref<512x8xi32, #tpu.memory_space<vmem>>, vector<512x1xi32>
    %swap3A_148 = vector.shape_cast %swap3A_147 : vector<512x1xi32> to vector<512xi32>
    %swap3A_149 = vector.shape_cast %squeeze3A_144 : vector<512xi32> to vector<512x1xi32>
    tpu.vector_store %arg6[%swap3A_145, %swap3A_146], %swap3A_149 {strides = array<i32>} : memref<512x8xi32, #tpu.memory_space<vmem>>, vector<512x1xi32>,
    %reduce_sum3A_150 = vector.shape_cast %broadcast_in_dim3A_135 : vector<512x1xf32> to vector<1x512x1xf32>
    %reduce_sum3A_151 = arith.constant dense<0.000000e+00> : vector<1xf32>
    %reduce_sum3A_152 = vector.multi_reduction <add>, %reduce_sum3A_150, %reduce_sum3A_151 [1, 2] : vector<1x512x1xf32> to vector<1xf32>
    %reduce_sum3A_153 = vector.shape_cast %reduce_sum3A_152 : vector<1xf32> to vector<1x1x1xf32>
    %reduce_sum3A_154 = vector.extract %reduce_sum3A_153[0, 0, 0] : f32 from vector<1x1x1xf32>
    %add3A_155 = arith.addf %add3A_127, %reduce_sum3A_154 : f32
    %eq3A_156 = vector.broadcast %broadcast_in_dim3A_143 : vector<512x1xi32> to vector<512x64xi32>
    %eq3A_157 = arith.cmpi eq, %iota3A, %eq3A_156 : vector<512x64xi32>
    %jit3A_158 = arith.constant -1.000000e+00 : f32
    %broadcast_in_dim3A_159 = vector.broadcast %jit3A_158 : f32 to vector<512x64xf32>
    %select_n3A_160 = arith.select %eq3A_157, %broadcast_in_dim3A_159, %select_n3A_132 : vector<512x64xi1>, vector<512x64xf32>
    %reduce_max3A_161 = arith.constant dense<0xFF800000> : vector<512xf32>
    %reduce_max3A_162 = vector.multi_reduction <maximumf>, %select_n3A_160, %reduce_max3A_161 [1] : vector<512x64xf32> to vector<512xf32>
    %broadcast_in_dim3A_163 = vector.shape_cast %reduce_max3A_162 : vector<512xf32> to vector<512x1xf32>
    %eq3A_164 = vector.broadcast %broadcast_in_dim3A_163 : vector<512x1xf32> to vector<512x64xf32>
    %eq3A_165 = arith.cmpf oeq, %select_n3A_160, %eq3A_164 : vector<512x64xf32>
    %jit3A_166 = arith.constant 64 : i32
    %broadcast_in_dim3A_167 = vector.broadcast %jit3A_166 : i32 to vector<512x64xi32>
    %select_n3A_168 = arith.select %eq3A_165, %iota3A, %broadcast_in_dim3A_167 : vector<512x64xi1>, vector<512x64xi32>
    %reduce_min3A_169 = arith.constant dense<2147483647> : vector<512xi32>
    %reduce_min3A_170 = vector.multi_reduction <minsi>, %select_n3A_168, %reduce_min3A_169 [1] : vector<512x64xi32> to vector<512xi32>
    %broadcast_in_dim3A_171 = vector.shape_cast %reduce_min3A_170 : vector<512xi32> to vector<512x1xi32>
    %squeeze3A_172 = vector.shape_cast %broadcast_in_dim3A_171 : vector<512x1xi32> to vector<512xi32>
    %swap3A_173 = arith.constant 0 : index
    %swap3A_174 = arith.constant 5 : index
    %swap3A_175 = vector.load %arg6[%swap3A_173, %swap3A_174] : memref<512x8xi32, #tpu.memory_space<vmem>>, vector<512x1xi32>
    %swap3A_176 = vector.shape_cast %swap3A_175 : vector<512x1xi32> to vector<512xi32>
    %swap3A_177 = vector.shape_cast %squeeze3A_172 : vector<512xi32> to vector<512x1xi32>
    tpu.vector_store %arg6[%swap3A_173, %swap3A_174], %swap3A_177 {strides = array<i32>} : memref<512x8xi32, #tpu.memory_space<vmem>>, vector<512x1xi32>,
    %reduce_sum3A_178 = vector.shape_cast %broadcast_in_dim3A_163 : vector<512x1xf32> to vector<1x512x1xf32>
    %reduce_sum3A_179 = arith.constant dense<0.000000e+00> : vector<1xf32>
    %reduce_sum3A_180 = vector.multi_reduction <add>, %reduce_sum3A_178, %reduce_sum3A_179 [1, 2] : vector<1x512x1xf32> to vector<1xf32>
    %reduce_sum3A_181 = vector.shape_cast %reduce_sum3A_180 : vector<1xf32> to vector<1x1x1xf32>
    %reduce_sum3A_182 = vector.extract %reduce_sum3A_181[0, 0, 0] : f32 from vector<1x1x1xf32>
    %add3A_183 = arith.addf %add3A_155, %reduce_sum3A_182 : f32
    %eq3A_184 = vector.broadcast %broadcast_in_dim3A_171 : vector<512x1xi32> to vector<512x64xi32>
    %eq3A_185 = arith.cmpi eq, %iota3A, %eq3A_184 : vector<512x64xi32>
    %jit3A_186 = arith.constant -1.000000e+00 : f32
    %broadcast_in_dim3A_187 = vector.broadcast %jit3A_186 : f32 to vector<512x64xf32>
    %select_n3A_188 = arith.select %eq3A_185, %broadcast_in_dim3A_187, %select_n3A_160 : vector<512x64xi1>, vector<512x64xf32>
    %reduce_max3A_189 = arith.constant dense<0xFF800000> : vector<512xf32>
    %reduce_max3A_190 = vector.multi_reduction <maximumf>, %select_n3A_188, %reduce_max3A_189 [1] : vector<512x64xf32> to vector<512xf32>
    %broadcast_in_dim3A_191 = vector.shape_cast %reduce_max3A_190 : vector<512xf32> to vector<512x1xf32>
    %eq3A_192 = vector.broadcast %broadcast_in_dim3A_191 : vector<512x1xf32> to vector<512x64xf32>
    %eq3A_193 = arith.cmpf oeq, %select_n3A_188, %eq3A_192 : vector<512x64xf32>
    %jit3A_194 = arith.constant 64 : i32
    %broadcast_in_dim3A_195 = vector.broadcast %jit3A_194 : i32 to vector<512x64xi32>
    %select_n3A_196 = arith.select %eq3A_193, %iota3A, %broadcast_in_dim3A_195 : vector<512x64xi1>, vector<512x64xi32>
    %reduce_min3A_197 = arith.constant dense<2147483647> : vector<512xi32>
    %reduce_min3A_198 = vector.multi_reduction <minsi>, %select_n3A_196, %reduce_min3A_197 [1] : vector<512x64xi32> to vector<512xi32>
    %broadcast_in_dim3A_199 = vector.shape_cast %reduce_min3A_198 : vector<512xi32> to vector<512x1xi32>
    %squeeze3A_200 = vector.shape_cast %broadcast_in_dim3A_199 : vector<512x1xi32> to vector<512xi32>
    %swap3A_201 = arith.constant 0 : index
    %swap3A_202 = arith.constant 6 : index
    %swap3A_203 = vector.load %arg6[%swap3A_201, %swap3A_202] : memref<512x8xi32, #tpu.memory_space<vmem>>, vector<512x1xi32>
    %swap3A_204 = vector.shape_cast %swap3A_203 : vector<512x1xi32> to vector<512xi32>
    %swap3A_205 = vector.shape_cast %squeeze3A_200 : vector<512xi32> to vector<512x1xi32>
    tpu.vector_store %arg6[%swap3A_201, %swap3A_202], %swap3A_205 {strides = array<i32>} : memref<512x8xi32, #tpu.memory_space<vmem>>, vector<512x1xi32>,
    %reduce_sum3A_206 = vector.shape_cast %broadcast_in_dim3A_191 : vector<512x1xf32> to vector<1x512x1xf32>
    %reduce_sum3A_207 = arith.constant dense<0.000000e+00> : vector<1xf32>
    %reduce_sum3A_208 = vector.multi_reduction <add>, %reduce_sum3A_206, %reduce_sum3A_207 [1, 2] : vector<1x512x1xf32> to vector<1xf32>
    %reduce_sum3A_209 = vector.shape_cast %reduce_sum3A_208 : vector<1xf32> to vector<1x1x1xf32>
    %reduce_sum3A_210 = vector.extract %reduce_sum3A_209[0, 0, 0] : f32 from vector<1x1x1xf32>
    %add3A_211 = arith.addf %add3A_183, %reduce_sum3A_210 : f32
    %eq3A_212 = vector.broadcast %broadcast_in_dim3A_199 : vector<512x1xi32> to vector<512x64xi32>
    %eq3A_213 = arith.cmpi eq, %iota3A, %eq3A_212 : vector<512x64xi32>
    %jit3A_214 = arith.constant -1.000000e+00 : f32
    %broadcast_in_dim3A_215 = vector.broadcast %jit3A_214 : f32 to vector<512x64xf32>
    %select_n3A_216 = arith.select %eq3A_213, %broadcast_in_dim3A_215, %select_n3A_188 : vector<512x64xi1>, vector<512x64xf32>
    %reduce_max3A_217 = arith.constant dense<0xFF800000> : vector<512xf32>
    %reduce_max3A_218 = vector.multi_reduction <maximumf>, %select_n3A_216, %reduce_max3A_217 [1] : vector<512x64xf32> to vector<512xf32>
    %broadcast_in_dim3A_219 = vector.shape_cast %reduce_max3A_218 : vector<512xf32> to vector<512x1xf32>
    %eq3A_220 = vector.broadcast %broadcast_in_dim3A_219 : vector<512x1xf32> to vector<512x64xf32>
    %eq3A_221 = arith.cmpf oeq, %select_n3A_216, %eq3A_220 : vector<512x64xf32>
    %jit3A_222 = arith.constant 64 : i32
    %broadcast_in_dim3A_223 = vector.broadcast %jit3A_222 : i32 to vector<512x64xi32>
    %select_n3A_224 = arith.select %eq3A_221, %iota3A, %broadcast_in_dim3A_223 : vector<512x64xi1>, vector<512x64xi32>
    %reduce_min3A_225 = arith.constant dense<2147483647> : vector<512xi32>
    %reduce_min3A_226 = vector.multi_reduction <minsi>, %select_n3A_224, %reduce_min3A_225 [1] : vector<512x64xi32> to vector<512xi32>
    %broadcast_in_dim3A_227 = vector.shape_cast %reduce_min3A_226 : vector<512xi32> to vector<512x1xi32>
    %squeeze3A_228 = vector.shape_cast %broadcast_in_dim3A_227 : vector<512x1xi32> to vector<512xi32>
    %swap3A_229 = arith.constant 0 : index
    %swap3A_230 = arith.constant 7 : index
    %swap3A_231 = vector.load %arg6[%swap3A_229, %swap3A_230] : memref<512x8xi32, #tpu.memory_space<vmem>>, vector<512x1xi32>
    %swap3A_232 = vector.shape_cast %swap3A_231 : vector<512x1xi32> to vector<512xi32>
    %swap3A_233 = vector.shape_cast %squeeze3A_228 : vector<512xi32> to vector<512x1xi32>
    tpu.vector_store %arg6[%swap3A_229, %swap3A_230], %swap3A_233 {strides = array<i32>} : memref<512x8xi32, #tpu.memory_space<vmem>>, vector<512x1xi32>,
    %reduce_sum3A_234 = vector.shape_cast %broadcast_in_dim3A_219 : vector<512x1xf32> to vector<1x512x1xf32>
    %reduce_sum3A_235 = arith.constant dense<0.000000e+00> : vector<1xf32>
    %reduce_sum3A_236 = vector.multi_reduction <add>, %reduce_sum3A_234, %reduce_sum3A_235 [1, 2] : vector<1x512x1xf32> to vector<1xf32>
    %reduce_sum3A_237 = vector.shape_cast %reduce_sum3A_236 : vector<1xf32> to vector<1x1x1xf32>
    %reduce_sum3A_238 = vector.extract %reduce_sum3A_237[0, 0, 0] : f32 from vector<1x1x1xf32>
    %add3A_239 = arith.addf %add3A_211, %reduce_sum3A_238 : f32
    %eq3A_240 = arith.constant 0 : i32
    %eq3A_241 = arith.cmpi eq, %arg0, %eq3A_240 : i32
    %convert_element_type3A = arith.extui %eq3A_241 : i1 to i32
    %cond3A = arith.constant 0 : i32
    %cond3A_242 = arith.cmpi ne, %convert_element_type3A, %cond3A : i32
    scf.if %cond3A_242 {
      %swap3A_255 = arith.constant 0.000000e+00 : f32
      %swap3A_256 = arith.constant 0 : index
      %swap3A_257 = arith.constant 0 : index
      %swap3A_258 = memref.load %arg5[%swap3A_256, %swap3A_257] : memref<1x1xf32, #tpu.memory_space<smem>>
      memref.store %swap3A_255, %arg5[%swap3A_256, %swap3A_257] : memref<1x1xf32, #tpu.memory_space<smem>>
    } else {
    }
    %get3A_243 = arith.constant 0 : index
    %get3A_244 = arith.constant 0 : index
    %get3A_245 = memref.load %arg5[%get3A_243, %get3A_244] : memref<1x1xf32, #tpu.memory_space<smem>>
    %add3A_246 = arith.addf %get3A_245, %add3A_239 : f32
    %swap3A_247 = arith.constant 0 : index
    %swap3A_248 = arith.constant 0 : index
    %swap3A_249 = memref.load %arg5[%swap3A_247, %swap3A_248] : memref<1x1xf32, #tpu.memory_space<smem>>
    memref.store %add3A_246, %arg5[%swap3A_247, %swap3A_248] : memref<1x1xf32, #tpu.memory_space<smem>>
    %eq3A_250 = arith.constant 15 : i32
    %eq3A_251 = arith.cmpi eq, %arg0, %eq3A_250 : i32
    %convert_element_type3A_252 = arith.extui %eq3A_251 : i1 to i32
    %cond3A_253 = arith.constant 0 : i32
    %cond3A_254 = arith.cmpi ne, %convert_element_type3A_252, %cond3A_253 : i32
    scf.if %cond3A_254 {
      %get3A_255 = arith.constant 0 : index
      %get3A_256 = arith.constant 0 : index
      %get3A_257 = memref.load %arg5[%get3A_255, %get3A_256] : memref<1x1xf32, #tpu.memory_space<smem>>
      %mul3A = arith.constant -1.22070313E-4 : f32
      %mul3A_258 = arith.mulf %get3A_257, %mul3A : f32
      %swap3A_259 = arith.constant 0 : index
      %swap3A_260 = arith.constant 0 : index
      %swap3A_261 = memref.load %arg5[%swap3A_259, %swap3A_260] : memref<1x1xf32, #tpu.memory_space<smem>>
      memref.store %mul3A_258, %arg5[%swap3A_259, %swap3A_260] : memref<1x1xf32, #tpu.memory_space<smem>>
    } else {
    }
    return
  }
  func.func @transform_0(%arg0: i32) -> (i32, i32) {
    %c0_i32 = arith.constant 0 : i32
    %c0_i32_0 = arith.constant 0 : i32
    return %arg0, %c0_i32 : i32, i32
  }
  func.func @transform_1(%arg0: i32) -> (i32, i32) {
    %c0_i32 = arith.constant 0 : i32
    %c0_i32_0 = arith.constant 0 : i32
    %c0_i32_1 = arith.constant 0 : i32
    return %c0_i32, %c0_i32_0 : i32, i32
  }
  func.func @transform_2(%arg0: i32) -> (i32, i32) {
    %c0_i32 = arith.constant 0 : i32
    %c0_i32_0 = arith.constant 0 : i32
    return %arg0, %c0_i32 : i32, i32
  }
  func.func @transform_3(%arg0: i32) -> (i32, i32) {
    %c0_i32 = arith.constant 0 : i32
    %c0_i32_0 = arith.constant 0 : i32
    %c0_i32_1 = arith.constant 0 : i32
    return %c0_i32, %c0_i32_0 : i32, i32
  }
  func.func @transform_4(%arg0: i32) -> (i32, i32) {
    %c0_i32 = arith.constant 0 : i32
    %c0_i32_0 = arith.constant 0 : i32
    %c0_i32_1 = arith.constant 0 : i32
    return %c0_i32, %c0_i32_0 : i32, i32
  }
  func.func @transform_5(%arg0: i32) -> (i32, i32) {
    %c0_i32 = arith.constant 0 : i32
    %c0_i32_0 = arith.constant 0 : i32
    return %arg0, %c0_i32 : i32, i32
  }
}

</mosaic_0001>

<sc_bundles>
// kernel: _run.4.cloned.1.call-start
scs
__scs_entry_jumppad:
0x0: {  	(pc) =	sbr.rel $0x88, $3  }
0x1: {  	(tag) =	ssettag $0x0;
	lr =	simm.s32 $0x1  }
0x2: {  	[smem:$0x3F9E] =	sst lr;
	_ =	strace $0xD0000000  }
0x3: {  	_ = 	snop  }
0x4: {  	_ = 	snop  }
0x5: {  	_ = 	snop  }
0x6: {  	_ = 	snop  }
0x7: {  	_ = 	snop  }
__scs_overlays_trampoline_lowered:
0x8: {  	[smem:$0x3FAD] =	sst s0  }
0x9: {  	[smem:$0x3FAE] =	sst s1  }
0xa: {  	[smem:$0x3FAF] =	sst s2  }
0xb: {  	[smem:$0x3FB0] =	sst s3  }
0xc: {  	[smem:$0x3FB1] =	sst s4  }
0xd: {  	[smem:$0x3FB2] =	sst s5  }
0xe: {  	[smem:$0x3FB3] =	sst s6  }
0xf: {  	[smem:$0x3FB4] =	sst s7  }
0x10: {  	[smem:$0x3FB5] =	sst s8  }
0x11: {  	[smem:$0x3FB6] =	sst s9;
	s0 =	simm.s32 @!p0 $0x0  }
0x12: {  	s1 =	sld [smem:$0x3F9C];
	s0 =	simm.s32 @p0 $0x1  }
0x13: {  	[smem:$0x3FB7] =	sst s0;
	s0 =	simm.s32 @!p1 $0x0  }
0x14: {  	s2 =	sld [smem:$0x3F9B];
	s0 =	simm.s32 @p1 $0x1  }
0x15: {  	[smem:$0x3FB8] =	sst s0;
	s0 =	simm.s32 @!p2 $0x0  }
0x16: {  	s3 =	sld [smem:$0x3FDB];
	s0 =	simm.s32 @p2 $0x1  }
0x17: {  	s4 =	simm.s32 $0x1BF5;
	[smem:$0x3FBA] =	sst s0  }
0x18: {  	s0 =	sld [smem:$0x3F9D];
	_ =	swait.ge [sflag:s4], $0x0  }
0x19: {  	s7 =	sld [smem:$0x3F9E]  }
0x1a: {  	s8 =	sadd.s32 $0xFFFFE003, lr  }
0x1b: {  	s9 =	sadd.s32 $0xFFFFFEF7, lr;
	s5 =	simm.s32 $0xFFFFFFFF;
	p2 =	slt.u32 s8, $0xFFFFF086  }
0x1c: {  	p1 =	slt.u32 s9, $0xF7A;
	s5 =	simm.s32 @!p2 $0x0  }
0x1d: {  	s5 =	simm.s32 @p1 $0x1;
	p0 =	seq.s32 s7, s2  }
0x1e: {  	s7 =	smul.u32 @!p0 $0xF7A, s2;
	p2 =	seq.s32 @!p0 s5, $0x0  }
0x1f: {  	s9 =	smul.u32 $0xF7A, s1;
	s8 =	simm.s32 @!p0 $0x1BF5;
	p2 =	por !p2, p0  }
0x20: {  	[sflag:s8] =	ssyncset.s32 @!p0 $0xFFFFF086;
	s6 =	sadd.s32 @!p0 s3, s7;
	s7 =	simm.s32 @!p0 $0x108  }
0x21: {  	s3 =	sadd.s32 s3, s9;
	s6 =	sadd.s32 @!p0 $0x88, s6;
	s7 =	simm.s32 @p2 $0x1082  }
0x22: {  	[simem:s7], [sflag:s8] =	dma.local @!p0 [hbm:s6], $0xF7A  }
0x23: {  	s9 =	sor.u32 $0xD0000000, s2;
	s6 =	simm.s32 $0x108;
	_ =	swait.ge @!p0 [sflag:s8], $0x0  }
0x24: {  	s3 =	sadd.s32 $0x88, s3;
	s6 =	simm.s32 @!p1 $0x1082;
	[sflag:s4] =	ssyncset.s32 $0xFFFFF086  }
0x25: {  	[simem:s6], [sflag:s4] =	dma.local [hbm:s3], $0xF7A  }
0x26: {  	[smem:$0x3F9E] =	sst s1;
	(tag) =	ssettag s2;
	_ =	strace s9  }
0x27: {  	s1 =	sld [smem:$0x3FAE]  }
0x28: {  	s2 =	sld [smem:$0x3FAF]  }
0x29: {  	s4 =	sld [smem:$0x3FB1]  }
0x2a: {  	p0 =	seq.s32 s5, $0x0;
	s5 =	sld [smem:$0x3FB2]  }
0x2b: {  	s6 =	sld [smem:$0x3FB3]  }
0x2c: {  	s7 =	sld [smem:$0x3FB4]  }
0x2d: {  	s3 =	simm.s32 $0x108;
	s8 =	sld [smem:$0x3FB5]  }
0x2e: {  	s3 =	simm.s32 @!p0 $0x1082;
	s9 =	sld [smem:$0x3FB6]  }
0x2f: {  	lr =	sadd.s32 s0, s3;
	s0 =	sld [smem:$0x3FAD]  }
0x30: {  	s3 =	sld [smem:$0x3FB0]  }
0x31: {  	[smem:$0x3FB9] =	sst s10  }
0x32: {  	s10 =	sld [smem:$0x3FB7];
	_ =	sdelay $0x3  }
0x33: {  	p0 =	seq.s32 s10, $0x1;
	s10 =	sld [smem:$0x3FB9];
	_ =	sdelay $0x3  }
0x34: {  	[smem:$0x3FB9] =	sst s10  }
0x35: {  	s10 =	sld [smem:$0x3FB8];
	_ =	sdelay $0x3  }
0x36: {  	p1 =	seq.s32 s10, $0x1;
	s10 =	sld [smem:$0x3FB9];
	_ =	sdelay $0x3  }
0x37: {  	[smem:$0x3FB9] =	sst s10  }
0x38: {  	s10 =	sld [smem:$0x3FBA]  }
0x39: {  	_ = 	snop;
	(pc) =	sbr.ind lr, $3  }
0x3a: {  	_ = 	snop  }
0x3b: {  	_ = 	snop  }
0x3c: {  	p2 =	seq.s32 s10, $0x1;
	s10 =	sld [smem:$0x3FB9]  }
0x3d: {  	_ =	shalt  }
0x3e: {  	_ =	shalt  }
0x3f: {  	_ =	shalt  }
0x40: {  	_ =	shalt  }
0x41: {  	_ =	shalt  }
0x42: {  	_ =	shalt  }
0x43: {  	_ =	shalt  }
0x44: {  	_ =	shalt  }
0x45: {  	_ =	shalt  }
0x46: {  	_ =	shalt  }
0x47: {  	_ =	shalt  }
0x48: {  	_ =	shalt  }
0x49: {  	_ =	shalt  }
0x4a: {  	_ =	shalt  }
0x4b: {  	_ =	shalt  }
0x4c: {  	_ =	shalt  }
0x4d: {  	_ =	shalt  }
0x4e: {  	_ =	shalt  }
0x4f: {  	_ =	shalt  }
0x50: {  	_ =	shalt  }
0x51: {  	_ =	shalt  }
0x52: {  	_ =	shalt  }
0x53: {  	_ =	shalt  }
0x54: {  	_ =	shalt  }
0x55: {  	_ =	shalt  }
0x56: {  	_ =	shalt  }
0x57: {  	_ =	shalt  }
0x58: {  	_ =	shalt  }
0x59: {  	_ =	shalt  }
0x5a: {  	_ =	shalt  }
0x5b: {  	_ =	shalt  }
0x5c: {  	_ =	shalt  }
0x5d: {  	_ =	shalt  }
0x5e: {  	_ =	shalt  }
0x5f: {  	_ =	shalt  }
0x60: {  	_ =	shalt  }
0x61: {  	_ =	shalt  }
0x62: {  	_ =	shalt  }
0x63: {  	_ =	shalt  }
0x64: {  	_ =	shalt  }
0x65: {  	_ =	shalt  }
0x66: {  	_ =	shalt  }
0x67: {  	_ =	shalt  }
0x68: {  	_ =	shalt  }
0x69: {  	_ =	shalt  }
0x6a: {  	_ =	shalt  }
0x6b: {  	_ =	shalt  }
0x6c: {  	_ =	shalt  }
0x6d: {  	_ =	shalt  }
0x6e: {  	_ =	shalt  }
0x6f: {  	_ =	shalt  }
0x70: {  	_ =	shalt  }
0x71: {  	_ =	shalt  }
0x72: {  	_ =	shalt  }
0x73: {  	_ =	shalt  }
0x74: {  	_ =	shalt  }
0x75: {  	_ =	shalt  }
0x76: {  	_ =	shalt  }
0x77: {  	_ =	shalt  }
0x78: {  	_ =	shalt  }
0x79: {  	_ =	shalt  }
0x7a: {  	_ =	shalt  }
0x7b: {  	_ =	shalt  }
0x7c: {  	_ =	shalt  }
0x7d: {  	_ =	shalt  }
0x7e: {  	_ =	shalt  }
0x7f: {  	_ =	shalt  }
0x80: {  	_ =	shalt  }
0x81: {  	_ =	shalt  }
0x82: {  	_ =	shalt  }
0x83: {  	_ =	shalt  }
0x84: {  	_ =	shalt  }
0x85: {  	_ =	shalt  }
0x86: {  	_ =	shalt  }
0x87: {  	_ =	shalt  }
.Lfunc_end0:
.L_simem_size_0:
called_computation_lowered:
.L_overlay_start_0:
0x88: {  	s2 =	sld [smem:$0x3FD9]  }
0x89: {  	s3 =	sld [smem:$0x3FFE];
	_ =	sdelay $0x1  }
0x8a: {  	s1 =	srdreg.scid  }
0x8b: {  	s0 =	sand.u32 $0x1, s1  }
0x8c: {  	s14 =	sshll.u32 s0, $0xA;
	s2 =	sadd.s32 s3, s2  }
0x8d: {  	s2 =	sadd.s32 s2, s14  }
0x8e: {  	[smem:$0x3FC5] =	sst s2  }
0x8f: {  	_ = 	snop  }
0x90: {  	s2 =	sld [smem:$0x3FD0];
	_ =	sdelay $0x2  }
0x91: {  	s4 =	simm.s32 $0xA;
	s5 =	simm.s32 $0x10;
	s15 =	sld [smem:$0x3FC7]  }
0x92: {  	[smem:s5], [sflag:s4] =	dma.local [hbm:s2], $0x1  }
0x93: {  	_ =	swait.eq [sflag:s4], $0x1  }
0x94: {  	[sflag:s4] =	ssyncset.done $0x0  }
0x95: {  	[sflag:s4] =	ssyncadd.s32 $0xFFFFFFFF  }
0x96: {  	s16 =	sld [smem:$0x10];
	(tm) =	ssettm $0x1  }
0x97: {  	s17 =	sld [smem:$0x3FFB];
	_ =	sdelay $0x3  }
0x98: {  	_ =	strace s17  }
0x99: {  	s4 =	sld [smem:$0x3FFC];
	_ =	sdelay $0x3  }
0x9a: {  	_ =	strace s4  }
0x9b: {  	s4 =	sld [smem:$0x3FFD];
	_ =	sdelay $0x3  }
0x9c: {  	_ =	strace s4  }
0x9d: {  	_ =	strace $0x8FFFFFFF  }
0x9e: {  	s18 =	sld [smem:$0x3FDB];
	_ =	sdelay $0x1  }
0x9f: {  	s19 =	simm.s32 $_scs_section_size  }
0xa0: {  	s6 =	simm.s32 $_size__tile_overlayer_lowered;
	s7 =	simm.s32 $_tile_overlayer_lowered  }
0xa1: {  	s22 =	simm.s32 $0x1BFF;
	s21 =	sshll.u32 s7, $0x1;
	s4 =	sadd.s32 s19, s18  }
0xa2: {  	s8 =	simm.s32 $0x0;
	s20 =	sshll.u32 s6, $0x1;
	s6 =	sadd.s32 s21, s4  }
0xa3: {  	[timem:s8], [sflag:s22] =	dma.local [hbm:s6], s20  }
0xa4: {  	_ =	swait.ge [sflag:s22], s20  }
0xa5: {  	s5 =	ssub.s32 $0x0, s20;
	[sflag:s22] =	ssyncset.done $0x0  }
0xa6: {  	[sflag:s22] =	ssyncadd.s32 s5;
	_ =	sdelay $0x1  }
0xa7: {  	s23 =	simm.s32 $0x1B8B  }
0xa8: {  	_ =	swait.ge [sflag:s23], $0x1  }
0xa9: {  	[sflag:s23] =	ssyncset.done $0x0  }
0xaa: {  	s25 =	simm.s32 $0x1B8E;
	s24 =	sld [smem:$0x3FFE];
	[sflag:s23] =	ssyncadd.s32 $0xFFFFFFFF  }
0xab: {  	s26 =	simm.s32 $execute0_lowered;
	[smem:$0x3FD2] =	sst s25  }
0xac: {  	s6 =	sshll.u32 s26, $0x1;
	_ =	strace $0x80000046;
	[dreg:$0x1] =	wrdreg $0xFFFFFFFF  }
0xad: {  	s28 =	simm.s32 $_size_execute0_lowered;
	s4 =	sadd.s32 s4, s6;
	[dreg:$0x0] =	wrdreg $0x0  }
0xae: {  	s6 =	sshll.u32 s28, $0x1;
	[dreg:$0x2] =	wrdreg s4  }
0xaf: {  	[dreg:$0x3] =	wrdreg s6  }
0xb0: {  	[dreg:$0x4] =	wrdreg $0xC0  }
0xb1: {  	_ =	task [dreg:s8], $0x5FFFF  }
0xb2: {  	[dreg:$0x1] =	wrdreg $0xFFFFFFFF  }
0xb3: {  	[dreg:$0x0] =	wrdreg $0x60  }
0xb4: {  	[dreg:$0x2] =	wrdreg s15  }
0xb5: {  	[dreg:$0x3] =	wrdreg s24  }
0xb6: {  	[dreg:$0x4] =	wrdreg s16  }
0xb7: {  	[dreg:$0x5] =	wrdreg $0x9  }
0xb8: {  	_ =	task.clear_ibuf [dreg:s8], $0x6FFFF;
	_ =	strace $0x90000046  }
0xb9: {  	s29 =	simm.s32 $0x9;
	_ =	strace $0x80000048  }
0xba: {  	_ =	swait.ge [sflag:s29], $0x1  }
0xbb: {  	[sflag:s29] =	ssyncadd.s32 $0xFFFFFFFF  }
0xbc: {  	_ =	strace $0x90000048  }
0xbd: {  	_ =	sfence  }
0xbe: {  	s30 =	sld [smem:$0x0];
	_ =	sdelay $0x2  }
0xbf: {  	s31 =	sshll.u32 s1, $0xD;
	s1 =	sshrl.u32 s1, $0x2  }
0xc0: {  	s3 =	sand.u32 $0x4000, s31;
	s1 =	sadd.s32 s1, s30  }
0xc1: {  	s0 =	sor.u32 s3, s0;
	s1 =	sshll.u32 s1, $0x11  }
0xc2: {  	s0 =	sor.u32 s1, s0  }
0xc3: {  	s0 =	sadd.s32 $0x8F2B, s0  }
0xc4: {  	[sflag:s0] =	ssyncadd.remote.s32 $0x1  }
0xc5: {  	_ =	sfence.sel $0xFFFF  }
0xc6: {  	[dreg:$0x0] =	wrdreg $0xFFFFFFFF;
	(pc) =	sbr.abs _section_cstart, $3  }
0xc7: {  	[dreg:$0x1] =	wrdreg $0xFFFFFFFF  }
0xc8: {  	_ =	task.clear_ibuf [dreg:s8], $0x2FFFF;
	_ =	strace $0x9FFFFFFF  }
0xc9: {  	(tm) =	ssettm $0x7FFFFFFF  }
tec
execute0_lowered:
.L_overlay_start_1:
0x0: {  	(tag) =	ssettag $0x1  }
0x1: {  	s1 =	rddreg [dreg:$0x0]  }
0x2: {  	s0 =	rddreg [dreg:$0x1]  }
0x3: {  	s4 =	rddreg [dreg:$0x2];
	s3 =	simm.s32 $0x0  }
0x4: {  	s11 =	simm.s32 $0x1000;
	[smem:$0x7FF] =	sst s3  }
0x5: {  	s13 =	simm.s32 $0x1800;
	_ =	strace $0x80000047;
	[dreg:$0x5] =	wrdreg s11  }
0x6: {  	s14 =	simm.s32 $0x2000;
	[dreg:$0x6] =	wrdreg s13  }
0x7: {  	s15 =	simm.s32 $0x2800;
	[dreg:$0x7] =	wrdreg s14  }
0x8: {  	s5 =	srdreg.scid;
	s16 =	simm.s32 $0x3000;
	[dreg:$0x8] =	wrdreg s15  }
0x9: {  	s2 =	stileid.u32;
	s17 =	simm.s32 $0x3800;
	[dreg:$0x9] =	wrdreg s16  }
0xa: {  	s18 =	simm.s32 $0x4000;
	s20 =	simm.s32 $0x4800;
	[dreg:$0xa] =	wrdreg s17  }
0xb: {  	s21 =	simm.s32 $0x5000;
	s22 =	simm.s32 $0x5800;
	[dreg:$0xb] =	wrdreg s18  }
0xc: {  	s23 =	simm.s32 $0x6000;
	s24 =	simm.s32 $0x6800;
	[dreg:$0xc] =	wrdreg s20  }
0xd: {  	s25 =	simm.s32 $0x7000;
	s26 =	simm.s32 $0x7800;
	[dreg:$0xd] =	wrdreg s21  }
0xe: {  	s9 =	simm.s32 $0x3;
	s31 =	simm.s32 $0x8000;
	[dreg:$0xe] =	wrdreg s22  }
0xf: {  	s28 =	simm.s32 $0x1;
	s29 =	simm.s32 $0x2;
	[dreg:$0xf] =	wrdreg s23  }
0x10: {  	s30 =	simm.s32 $0x0;
	s5 =	sand.u32 $0x1, s5;
	[dreg:$0x10] =	wrdreg s24  }
0x11: {  	s6 =	sshll.u32 s2, $0x13;
	s12 =	sshll.u32 s2, $0xC;
	[dreg:$0x11] =	wrdreg s25  }
0x12: {  	s4 =	sadd.s32 s6, s4;
	s10 =	sshll.u32 s5, $0x12;
	[dreg:$0x12] =	wrdreg s26  }
0x13: {  	s7 =	sshll.u32 s5, $0xB;
	s5 =	ssub.s32 $0x2, s5;
	[dreg:$0x13] =	wrdreg s31  }
0x14: {  	s11 =	simm.s32 $0x8800;
	s13 =	simm.s32 $0x9800;
	s14 =	simm.s32 $0xA000  }
0x15: {  	s15 =	simm.s32 $0xA800;
	s16 =	simm.s32 $0xB000;
	s17 =	simm.s32 $0xB800  }
0x16: {  	s18 =	simm.s32 $0xC000;
	s20 =	simm.s32 $0xD000;
	s21 =	simm.s32 $0xD800  }
0x17: {  	s22 =	simm.s32 $0xE000;
	s23 =	simm.s32 $0xE800;
	s24 =	simm.s32 $0xF000  }
0x18: {  	s25 =	simm.s32 $0xF800;
	s26 =	simm.s32 $0x10000;
	s4 =	sadd.s32 s10, s4  }
0x19: {  	s6 =	sor.u32 s7, s12;
	s19 =	sshrl.u32 s5, $0x1;
	s7 =	sadd.s32 $0x300, s1  }
0x1a: {  	s10 =	simm.s32 $0x800;
	s12 =	simm.s32 $0x9000;
	s6 =	sshrl.u32 s6, $0x3  }
0x1b: {  	v2 =	vlaneseq.u32;
	[dreg:$0x4] =	wrdreg s4;
	s8 =	ssub.s32 s5, s19;
	s0 =	sadd.s32 s6, s0  }
0x1c: {  	vm0 =	vmmov $0xffff;
	v1 =	vshrl.u32 v2, $0x3;
	s5 =	sadd.s32 $0x100, s1;
	s19 =	simm.s32 $0xC800;
	s0 =	sadd.s32 $0x20000, s0  }
0x1d: {  	v0 =	vand.u32 $0x7, v2;
	v2 =	vor.u32 $0x8, v2;
	v1 =	vmul.u32 $0x8, v1;
	s6 =	sadd.s32 $0x200, s1;
	s8 =	smax.u32 s8, $0x1;
	[dreg:$0x14] =	wrdreg s0  }
.LBB2_1:
0x1e: {  	s0 =	rddreg [dreg:$0x14]  }
0x1f: {  	[tilespmem:s3], [sflag:$0x3] =	stream.linear.gather [hbm4b:s0+s3], $0x800, $0x38;
	[tilespmem:$0x10800] =	vst v63  }
0x20: {  	_ =	swait.ge [sflag:s9], $0x800  }
0x21: {  	[sflag:s9] =	ssyncset.done $0x0  }
0x22: {  	s31 =	simm.s32 $0x20;
	s0 =	simm.s32 $0x0;
	[sflag:s9] =	ssyncadd.s32 $0xFFFFF800  }
.LBB2_2:
0x23: {  	v3 =	vld [tilespmem:s31+$0xFFFFFFE0];
	_ =	sdelay $0x4  }
0x24: {  	v4 =	vshll.u32 v3, $0x3  }
0x25: {  	v3 =	vand.u32 $0x7, v3;
	v4 =	vand.u32 $0xFFFFFFC0, v4  }
0x26: {  	v3 =	vor.u32 v3, v4  }
0x27: {  	v4 =	vperm.xlane v3, v0;
	_ =	sdelay $0x1  }
0x28: {  	v4 =	vadd.s32 v1, v4;
	_ =	sdelay $0x4  }
0x29: {  	[tilespmem:s10], [sflag:$0x1] =	stream.indirect_vreg.gather [hbm4b:s1+s3], $0x80, v4, vm0, $0xb8;
	[tilespmem:$0x10800] =	vst v63  }
0x2a: {  	s2 =	rddreg [dreg:$0x5];
	v3 =	vperm.xlane v3, v2  }
0x2b: {  	[tilespmem:s2], [sflag:$0x1] =	stream.indirect_vreg.gather [hbm4b:s5+s3], $0x80, v4, vm0, $0xb8;
	[tilespmem:$0x10800] =	vst v63  }
0x2c: {  	s4 =	rddreg [dreg:$0x6];
	v3 =	vadd.s32 v1, v3  }
0x2d: {  	[tilespmem:s4], [sflag:$0x1] =	stream.indirect_vreg.gather [hbm4b:s6+s3], $0x80, v4, vm0, $0xb8;
	[tilespmem:$0x10800] =	vst v63  }
0x2e: {  	s2 =	rddreg [dreg:$0x7]  }
0x2f: {  	[tilespmem:s2], [sflag:$0x1] =	stream.indirect_vreg.gather [hbm4b:s7+s3], $0x80, v4, vm0, $0xb8;
	[tilespmem:$0x10800] =	vst v63  }
0x30: {  	s4 =	rddreg [dreg:$0x8]  }
0x31: {  	[tilespmem:s4], [sflag:$0x1] =	stream.indirect_vreg.gather [hbm4b:s1+s3], $0x80, v3, vm0, $0xb8;
	[tilespmem:$0x10800] =	vst v63  }
0x32: {  	s2 =	rddreg [dreg:$0x9]  }
0x33: {  	[tilespmem:s2], [sflag:$0x1] =	stream.indirect_vreg.gather [hbm4b:s5+s3], $0x80, v3, vm0, $0xb8;
	[tilespmem:$0x10800] =	vst v63  }
0x34: {  	s4 =	rddreg [dreg:$0xa]  }
0x35: {  	[tilespmem:s4], [sflag:$0x1] =	stream.indirect_vreg.gather [hbm4b:s6+s3], $0x80, v3, vm0, $0xb8;
	[tilespmem:$0x10800] =	vst v63  }
0x36: {  	s2 =	rddreg [dreg:$0xb]  }
0x37: {  	[tilespmem:s2], [sflag:$0x1] =	stream.indirect_vreg.gather [hbm4b:s7+s3], $0x80, v3, vm0, $0xb8;
	[tilespmem:$0x10800] =	vst v63  }
0x38: {  	v3 =	vld [tilespmem:s31+$0xFFFFFFF0];
	_ =	sdelay $0x4  }
0x39: {  	v61 =	vshll.u32 v3, $0x3  }
0x3a: {  	v3 =	vand.u32 $0x7, v3;
	v4 =	vand.u32 $0xFFFFFFC0, v61  }
0x3b: {  	v3 =	vor.u32 v3, v4  }
0x3c: {  	v4 =	vperm.xlane v3, v0;
	_ =	sdelay $0x1  }
0x3d: {  	v4 =	vadd.s32 v1, v4;
	_ =	sdelay $0x3  }
0x3e: {  	s2 =	rddreg [dreg:$0xc]  }
0x3f: {  	[tilespmem:s2], [sflag:$0x1] =	stream.indirect_vreg.gather [hbm4b:s1+s3], $0x80, v4, vm0, $0xb8;
	[tilespmem:$0x10800] =	vst v63  }
0x40: {  	s4 =	rddreg [dreg:$0xd];
	v3 =	vperm.xlane v3, v2  }
0x41: {  	[tilespmem:s4], [sflag:$0x1] =	stream.indirect_vreg.gather [hbm4b:s5+s3], $0x80, v4, vm0, $0xb8;
	[tilespmem:$0x10800] =	vst v63  }
0x42: {  	v3 =	vadd.s32 v1, v3;
	s2 =	rddreg [dreg:$0xe]  }
0x43: {  	[tilespmem:s2], [sflag:$0x1] =	stream.indirect_vreg.gather [hbm4b:s6+s3], $0x80, v4, vm0, $0xb8;
	[tilespmem:$0x10800] =	vst v63  }
0x44: {  	s4 =	rddreg [dreg:$0xf]  }
0x45: {  	[tilespmem:s4], [sflag:$0x1] =	stream.indirect_vreg.gather [hbm4b:s7+s3], $0x80, v4, vm0, $0xb8;
	[tilespmem:$0x10800] =	vst v63  }
0x46: {  	s2 =	rddreg [dreg:$0x10]  }
0x47: {  	[tilespmem:s2], [sflag:$0x1] =	stream.indirect_vreg.gather [hbm4b:s1+s3], $0x80, v3, vm0, $0xb8;
	[tilespmem:$0x10800] =	vst v63  }
0x48: {  	s4 =	rddreg [dreg:$0x11]  }
0x49: {  	[tilespmem:s4], [sflag:$0x1] =	stream.indirect_vreg.gather [hbm4b:s5+s3], $0x80, v3, vm0, $0xb8;
	[tilespmem:$0x10800] =	vst v63  }
0x4a: {  	s2 =	rddreg [dreg:$0x12]  }
0x4b: {  	[tilespmem:s2], [sflag:$0x1] =	stream.indirect_vreg.gather [hbm4b:s6+s3], $0x80, v3, vm0, $0xb8;
	[tilespmem:$0x10800] =	vst v63  }
0x4c: {  	s4 =	rddreg [dreg:$0x13]  }
0x4d: {  	[tilespmem:s4], [sflag:$0x1] =	stream.indirect_vreg.gather [hbm4b:s7+s3], $0x80, v3, vm0, $0xb8;
	[tilespmem:$0x10800] =	vst v63  }
0x4e: {  	v3 =	vld [tilespmem:s31+$0x0];
	_ =	sdelay $0x4  }
0x4f: {  	v62 =	vshll.u32 v3, $0x3  }
0x50: {  	v3 =	vand.u32 $0x7, v3;
	v4 =	vand.u32 $0xFFFFFFC0, v62  }
0x51: {  	v3 =	vor.u32 v3, v4  }
0x52: {  	v4 =	vperm.xlane v3, v0;
	_ =	sdelay $0x1  }
0x53: {  	v4 =	vadd.s32 v1, v4;
	_ =	sdelay $0x4  }
0x54: {  	[tilespmem:s11], [sflag:$0x2] =	stream.indirect_vreg.gather [hbm4b:s1+s3], $0x80, v4, vm0, $0xb8;
	[tilespmem:$0x10800] =	vst v63  }
0x55: {  	v3 =	vperm.xlane v3, v2  }
0x56: {  	[tilespmem:s12], [sflag:$0x2] =	stream.indirect_vreg.gather [hbm4b:s5+s3], $0x80, v4, vm0, $0xb8;
	[tilespmem:$0x10800] =	vst v63  }
0x57: {  	v3 =	vadd.s32 v1, v3  }
0x58: {  	[tilespmem:s13], [sflag:$0x2] =	stream.indirect_vreg.gather [hbm4b:s6+s3], $0x80, v4, vm0, $0xb8;
	[tilespmem:$0x10800] =	vst v63  }
0x59: {  	_ = 	snop  }
0x5a: {  	[tilespmem:s14], [sflag:$0x2] =	stream.indirect_vreg.gather [hbm4b:s7+s3], $0x80, v4, vm0, $0xb8;
	[tilespmem:$0x10800] =	vst v63  }
0x5b: {  	_ = 	snop  }
0x5c: {  	[tilespmem:s15], [sflag:$0x2] =	stream.indirect_vreg.gather [hbm4b:s1+s3], $0x80, v3, vm0, $0xb8;
	[tilespmem:$0x10800] =	vst v63  }
0x5d: {  	_ = 	snop  }
0x5e: {  	[tilespmem:s16], [sflag:$0x2] =	stream.indirect_vreg.gather [hbm4b:s5+s3], $0x80, v3, vm0, $0xb8;
	[tilespmem:$0x10800] =	vst v63  }
0x5f: {  	_ = 	snop  }
0x60: {  	[tilespmem:s17], [sflag:$0x2] =	stream.indirect_vreg.gather [hbm4b:s6+s3], $0x80, v3, vm0, $0xb8;
	[tilespmem:$0x10800] =	vst v63  }
0x61: {  	_ = 	snop  }
0x62: {  	[tilespmem:s18], [sflag:$0x2] =	stream.indirect_vreg.gather [hbm4b:s7+s3], $0x80, v3, vm0, $0xb8;
	[tilespmem:$0x10800] =	vst v63  }
0x63: {  	v3 =	vld [tilespmem:s31+$0x10];
	_ =	sdelay $0x4  }
0x64: {  	v63 =	vshll.u32 v3, $0x3  }
0x65: {  	v3 =	vand.u32 $0x7, v3;
	v4 =	vand.u32 $0xFFFFFFC0, v63  }
0x66: {  	v3 =	vor.u32 v3, v4  }
0x67: {  	v4 =	vperm.xlane v3, v0;
	_ =	sdelay $0x1  }
0x68: {  	v4 =	vadd.s32 v1, v4;
	_ =	sdelay $0x4  }
0x69: {  	[tilespmem:s19], [sflag:$0x2] =	stream.indirect_vreg.gather [hbm4b:s1+s3], $0x80, v4, vm0, $0xb8;
	[tilespmem:$0x10800] =	vst v63  }
0x6a: {  	v3 =	vperm.xlane v3, v2  }
0x6b: {  	[tilespmem:s20], [sflag:$0x2] =	stream.indirect_vreg.gather [hbm4b:s5+s3], $0x80, v4, vm0, $0xb8;
	[tilespmem:$0x10800] =	vst v63  }
0x6c: {  	v3 =	vadd.s32 v1, v3  }
0x6d: {  	[tilespmem:s21], [sflag:$0x2] =	stream.indirect_vreg.gather [hbm4b:s6+s3], $0x80, v4, vm0, $0xb8;
	[tilespmem:$0x10800] =	vst v63  }
0x6e: {  	_ = 	snop  }
0x6f: {  	[tilespmem:s22], [sflag:$0x2] =	stream.indirect_vreg.gather [hbm4b:s7+s3], $0x80, v4, vm0, $0xb8;
	[tilespmem:$0x10800] =	vst v63  }
0x70: {  	_ = 	snop  }
0x71: {  	[tilespmem:s23], [sflag:$0x2] =	stream.indirect_vreg.gather [hbm4b:s1+s3], $0x80, v3, vm0, $0xb8;
	[tilespmem:$0x10800] =	vst v63  }
0x72: {  	_ = 	snop  }
0x73: {  	[tilespmem:s24], [sflag:$0x2] =	stream.indirect_vreg.gather [hbm4b:s5+s3], $0x80, v3, vm0, $0xb8;
	[tilespmem:$0x10800] =	vst v63  }
0x74: {  	_ = 	snop  }
0x75: {  	[tilespmem:s25], [sflag:$0x2] =	stream.indirect_vreg.gather [hbm4b:s6+s3], $0x80, v3, vm0, $0xb8;
	[tilespmem:$0x10800] =	vst v63  }
0x76: {  	_ = 	snop  }
0x77: {  	[tilespmem:s26], [sflag:$0x2] =	stream.indirect_vreg.gather [hbm4b:s7+s3], $0x80, v3, vm0, $0xb8;
	[tilespmem:$0x10800] =	vst v63  }
0x78: {  	_ =	swait.ge [sflag:s28], $0x8000  }
0x79: {  	s4 =	rddreg [dreg:$0x4];
	[sflag:s28] =	ssyncset.done $0x0  }
0x7a: {  	[sflag:s28] =	ssyncadd.s32 $0xFFFF8000;
	s2 =	sadd.s32 s0, s4  }
0x7b: {  	[hbm4b:s2+s3] =	stream.linear.scatter [tilespmem:s10], [sflag:$0x3], $0x8000, $0x38;
	[tilespmem:$0x10800] =	vst v63  }
0x7c: {  	_ =	swait.ge [sflag:s9], $0x8000  }
0x7d: {  	[sflag:s9] =	ssyncset.done $0x0  }
0x7e: {  	[sflag:s9] =	ssyncadd.s32 $0xFFFF8000  }
0x7f: {  	_ =	swait.ge [sflag:s29], $0x8000  }
0x80: {  	p0 =	sne.s32 s0, $0x3E000;
	[sflag:s29] =	ssyncset.done $0x0  }
.Ltmp0:
0x81: {  	s2 =	sadd.s32 $0x1000, s2;
	[sflag:s29] =	ssyncadd.s32 $0xFFFF8000;
	(pc) =	sbr.rel @p0 .LBB2_2-.Ltmp0, $4  }
0x82: {  	[hbm4b:s2+s3] =	stream.linear.scatter [tilespmem:s11], [sflag:$0x3], $0x8000, $0x38;
	[tilespmem:$0x10800] =	vst v63  }
0x83: {  	_ =	swait.ge [sflag:s9], $0x8000  }
0x84: {  	[sflag:s9] =	ssyncset.done $0x0  }
0x85: {  	s31 =	sadd.s32 $0x40, s31;
	s0 =	sadd.s32 $0x2000, s0;
	[sflag:s9] =	ssyncadd.s32 $0xFFFF8000  }
0x86: {  	s30 =	sadd.s32 $0x1, s30  }
0x87: {  	p0 =	sne.s32 s30, s8  }
.Ltmp1:
0x88: {  	_ = 	snop;
	(pc) =	sbr.rel @p0 .LBB2_1-.Ltmp1, $1  }
0x89: {  	_ =	sdelay $0x3  }
0x8a: {  	_ =	sfence.sel $0x180000  }
0x8b: {  	[bflag:$0x0] =	sbarrier.arrive $0xFFFF  }
0x8c: {  	_ =	strace $0x90000047  }
0x8d: {  	s0 =	stileid.u32;
	[bflag:$0x2] =	sbarrier.arrive $0xFFFF  }
0x8e: {  	p0 =	sne.s32 s0, $0x0;
	s0 =	rddreg [dreg:$0x3]  }
0x8f: {  	s0 =	sadd.s32 @!p0 $0x100000, s0  }
0x90: {  	[sflag:s0] =	ssyncadd.tile.s32 @!p0 $0x1;
	_ =	shalt  }
.Lfunc_end2:
_tile_overlayer_lowered:
.L_overlay_start_2:
0x91: {  	(tag) =	ssettag $0x2  }
0x92: {  	s0 =	rddreg [dreg:$0x0];
	s2 =	stileid.u32  }
0x93: {  	s1 =	rddreg [dreg:$0x1];
	p0 =	sne.s32 s2, $0x0  }
0x94: {  	s3 =	rddreg [dreg:$0x2];
	[bflag:$0x3] =	sbarrier.arrive $0xFFFF;
	s2 =	simm.s32 @!p0 $0x1C03  }
0x95: {  	[timem:s3], [sflag:s2] =	dma.local @!p0 [hbm:s0], s1  }
0x96: {  	s0 =	simm.s32 @!p0 $0x3  }
0x97: {  	_ =	swait.ge @!p0 [sflag:s0], s1  }
0x98: {  	s1 =	ssub.s32 @!p0 $0x0, s1;
	[sflag:s0] =	ssyncset.done @!p0 $0x0  }
0x99: {  	[sflag:s0] =	ssyncadd.s32 @!p0 s1  }
0x9a: {  	[bflag:$0x3] =	sbarrier.arrive $0xFFFF  }
0x9b: {  	_ =	shalt  }

</sc_bundles>
